<compile_context>
chip_gen: v7x
topology: tpu7x:2x2x1
jax: 0.10.2.dev20260603
libtpu: 0.0.44.dev20260713+nightly
codegen_flags: <defaults>
</compile_context>

<pallas_src>
import functools

import jax
import jax.numpy as jnp
from jax import lax
from jax.experimental import pallas as pl
from jax.experimental.pallas import tpu as pltpu
from jax.experimental.pallas import tpu_sc as plsc

NE = 1024
D = 64
B = 32
T = 1024
N = B * T

NC = 2
NS = 16
NW = NC * NS
CHUNK = N // NW


def _vq_body(x_ref, w_ref, q_ref, idx_ref, loss_ref, wt, w2, acc):
    s = pl.program_id(0)

    @pl.when(s == 0)
    def _init():
        w = w_ref[...]
        acc[0, 0] = 0.0
        wt[...] = w.T
        w2[...] = w * jnp.float32(-2.0)

    row = jax.lax.broadcasted_iota(jnp.int32, (NE, T), 0)

    f_cb = x_ref[0]
    wsq = jnp.sum(w_ref[...] * w_ref[...], axis=1, keepdims=True)
    fsq = jnp.sum(f_cb * f_cb, axis=0, keepdims=True)
    mm2 = jax.lax.dot_general(
        w2[...], f_cb, (((1,), (0,)), ((), ())),
        preferred_element_type=jnp.float32)
    dist = (fsq + wsq) + mm2
    m = jnp.min(dist, axis=0, keepdims=True)
    idx = jnp.min(jnp.where(dist == m, row, NE),
                  axis=0, keepdims=True)
    oh = jnp.where(row == idx, jnp.float32(1.0), jnp.float32(0.0))
    q = jax.lax.dot_general(
        wt[...], oh, (((1,), (0,)), ((), ())),
        preferred_element_type=jnp.float32)

    acc[0, 0] += jnp.sum(m)
    q_ref[0] = q
    idx_ref[0, 0] = idx[0]

    @pl.when(s == B - 1)
    def _fin():
        loss_ref[0, 0] = 0.25 * acc[0, 0] / (N * D)


_sc_mesh = plsc.VectorSubcoreMesh(core_axis_name="c", subcore_axis_name="s")


@functools.partial(
    pl.kernel, mesh=_sc_mesh,
    out_type=jax.ShapeDtypeStruct((NC, NE), jnp.float32),
    scratch_types=[
        pltpu.VMEM((CHUNK,), jnp.int32),
        pltpu.VMEM((CHUNK,), jnp.float32),
        pltpu.VMEM_SHARED((NE,), jnp.float32),
    ],
)
def _sc_hist(idx_hbm, ones_hbm, zeros_hbm, out_hbm, idx_v, ones_v, shared):
    c = lax.axis_index("c")
    sub = lax.axis_index("s")
    wid = sub * NC + c
    base = wid * CHUNK
    pltpu.sync_copy(idx_hbm.at[pl.ds(base, CHUNK)], idx_v)
    pltpu.sync_copy(ones_hbm, ones_v)

    @pl.when(sub == 0)
    def _zero():
        pltpu.sync_copy(zeros_hbm, shared)

    plsc.subcore_barrier()
    pltpu.sync_copy(ones_v, shared.at[idx_v], add=True)
    plsc.subcore_barrier()

    @pl.when(sub == 0)
    def _emit():
        pltpu.sync_copy(shared, out_hbm.at[c])


def _perp_body(c_ref, perp_ref):
    p = (c_ref[0] + c_ref[1]) * jnp.float32(1.0 / N)
    perp_ref[0, 0] = jnp.exp(-jnp.sum(p * jnp.log(p + 1e-10)))


def kernel(x, W):
    x4 = x.reshape(B, D, T)
    q4, idx3, loss = pl.pallas_call(
        _vq_body,
        grid=(B,),
        in_specs=[
            pl.BlockSpec((1, D, T), lambda s: (s, 0, 0)),
            pl.BlockSpec((NE, D), lambda s: (0, 0)),
        ],
        out_specs=(
            pl.BlockSpec((1, D, T), lambda s: (s, 0, 0)),
            pl.BlockSpec((1, 1, T), lambda s: (s, 0, 0)),
            pl.BlockSpec(memory_space=pltpu.SMEM),
        ),
        out_shape=(
            jax.ShapeDtypeStruct((B, D, T), jnp.float32),
            jax.ShapeDtypeStruct((B, 1, T), jnp.int32),
            jax.ShapeDtypeStruct((1, 1), jnp.float32),
        ),
        scratch_shapes=[
            pltpu.VMEM((D, NE), jnp.float32),
            pltpu.VMEM((NE, D), jnp.float32),
            pltpu.SMEM((1, 1), jnp.float32),
        ],
    )(x4, W)

    cnt2 = _sc_hist(idx3.reshape(N),
                    jnp.ones((CHUNK,), jnp.float32),
                    jnp.zeros((NE,), jnp.float32))

    perp = pl.pallas_call(
        _perp_body,
        in_specs=[pl.BlockSpec((NC, NE), lambda: (0, 0))],
        out_specs=pl.BlockSpec(memory_space=pltpu.SMEM),
        out_shape=jax.ShapeDtypeStruct((1, 1), jnp.float32),
    )(cnt2)

    quantized = q4.reshape(32, 64, 32, 32)
    indices = idx3.reshape(32, 32, 32)
    return quantized, loss[0, 0], indices, perp[0, 0]

# --- scband reference (transcript-rebuilt; emitter-appended) ---
"""Pipeline reference for scband-vector-quantizer-ema-65558380806365 (READ-ONLY COPY).

The authoritative reference and input builder live on the scoring server;
editing this copy changes nothing except your own understanding.
"""

import jax, jax.numpy as jnp
import numpy as np

NUM_EMBEDDINGS = 1024
EMBEDDING_DIM = 64
COMMITMENT_COST = 0.25

def setup_inputs(seed: int = 0) -> dict:
    key = jax.random.key(seed)
    k1, k2 = jax.random.split(key)
    x = jax.random.normal(k1, (32, 64, 32, 32), dtype=jnp.float32)
    W = jax.random.normal(k2, (NUM_EMBEDDINGS, EMBEDDING_DIM), dtype=jnp.float32)
    return {"x": x, "W": W}

def reference(x, W):
    # eval-mode forward of VectorQuantizerEMA (no EMA buffer updates)
    inputs = jnp.transpose(x, (0, 2, 3, 1))  # (B, H, W, C)
    input_shape = inputs.shape
    flat_input = inputs.reshape(-1, EMBEDDING_DIM)
    distances = (jnp.sum(flat_input ** 2, axis=1, keepdims=True)
                 + jnp.sum(W ** 2, axis=1)
                 - 2.0 * jnp.matmul(flat_input, W.T))
    encoding_indices = jnp.argmin(distances, axis=1)
    encodings = jax.nn.one_hot(encoding_indices, NUM_EMBEDDINGS, dtype=jnp.float32)
    quantized = jnp.matmul(encodings, W)
    e_latent_loss = jnp.mean((jax.lax.stop_gradient(quantized) - flat_input) ** 2)
    loss = COMMITMENT_COST * e_latent_loss
    quantized = flat_input + jax.lax.stop_gradient(quantized - flat_input)
    avg_probs = jnp.mean(encodings, axis=0)
    perplexity = jnp.exp(-jnp.sum(avg_probs * jnp.log(avg_probs + 1e-10)))
    quantized = quantized.reshape(input_shape)
    quantized = jnp.transpose(quantized, (0, 3, 1, 2))
    indices = encoding_indices.reshape(input_shape[0], input_shape[1], input_shape[2])
    return (quantized, loss, indices, perplexity)

if __name__ == "__main__":
    import jax
    _d = setup_inputs()
    print(jax.jit(kernel)(*tuple(_d.values())))

</pallas_src>

<mosaic_0001>
#map = affine_map<(d0, d1) -> (0)>
#map1 = affine_map<(d0, d1) -> (0, 0)>
module attributes {stable_mosaic.version = 14 : i64} {
  func.func @_sc_hist(%arg0: i32, %arg1: i32, %arg2: memref<32768xi32, #tpu.memory_space<hbm>>, %arg3: memref<1024xf32, #tpu.memory_space<hbm>>, %arg4: memref<1024xf32, #tpu.memory_space<hbm>>, %arg5: memref<2x1024xf32, #tpu.memory_space<hbm>>, %arg6: memref<1024xi32, #tpu.memory_space<vmem>>, %arg7: memref<1024xf32, #tpu.memory_space<vmem>>, %arg8: memref<1024xf32, #tpu.memory_space<vmem_shared>>) attributes {dimension_semantics = [#tpu.dimension_semantics<core_parallel>, #tpu.dimension_semantics<subcore_parallel>], iteration_bounds = array<i64: 2, 16>, scalar_prefetch = 0 : i64, scratch_operands = 3 : i64, tpu.core_type = #tpu.core_type<sc_vector_subcore>, window_params = [{transform_indices = #map}, {transform_indices = #map}, {transform_indices = #map}, {transform_indices = #map1}]} {
    %mul3A = arith.constant 2 : i32
    %mul3A_0 = arith.muli %arg1, %mul3A : i32
    %add3A = arith.addi %mul3A_0, %arg0 : i32
    %mul3A_1 = arith.constant 1024 : i32
    %mul3A_2 = arith.muli %add3A, %mul3A_1 : i32
    "tpu.region"() ({
      %run_scoped3A = tpu.sem_alloc : memref<!tpu.dma_semaphore, #tpu.memory_space<semaphore_mem>>
      %dma_start3A = tpu.memref_slice %arg2[%mul3A_2] : memref<32768xi32, #tpu.memory_space<hbm>> -> memref<1024xi32, #tpu.memory_space<hbm>>
      %dma_start3A_11 = tpu.memref_slice %arg2[%mul3A_2] : memref<32768xi32, #tpu.memory_space<hbm>> -> memref<1024xi32, #tpu.memory_space<hbm>>
      tpu.enqueue_dma source(%dma_start3A_11 : memref<1024xi32, #tpu.memory_space<hbm>>) target(%arg6 : memref<1024xi32, #tpu.memory_space<vmem>>) target_semaphore(%run_scoped3A : memref<!tpu.dma_semaphore, #tpu.memory_space<semaphore_mem>>)
      %dma_wait3A = tpu.memref_slice %arg2[%mul3A_2] : memref<32768xi32, #tpu.memory_space<hbm>> -> memref<1024xi32, #tpu.memory_space<hbm>>
      %dma_wait3A_12 = tpu.memref_slice %arg2[%mul3A_2] : memref<32768xi32, #tpu.memory_space<hbm>> -> memref<1024xi32, #tpu.memory_space<hbm>>
      tpu.wait_dma2 semaphore(%run_scoped3A : memref<!tpu.dma_semaphore, #tpu.memory_space<semaphore_mem>>) src(%dma_wait3A_12 : memref<1024xi32, #tpu.memory_space<hbm>>) dst(%arg6 : memref<1024xi32, #tpu.memory_space<vmem>>)
      tpu.yield
    }) : () -> ()
    "tpu.region"() ({
      %run_scoped3A = tpu.sem_alloc : memref<!tpu.dma_semaphore, #tpu.memory_space<semaphore_mem>>
      tpu.enqueue_dma source(%arg3 : memref<1024xf32, #tpu.memory_space<hbm>>) target(%arg7 : memref<1024xf32, #tpu.memory_space<vmem>>) target_semaphore(%run_scoped3A : memref<!tpu.dma_semaphore, #tpu.memory_space<semaphore_mem>>)
      tpu.wait_dma2 semaphore(%run_scoped3A : memref<!tpu.dma_semaphore, #tpu.memory_space<semaphore_mem>>) src(%arg3 : memref<1024xf32, #tpu.memory_space<hbm>>) dst(%arg7 : memref<1024xf32, #tpu.memory_space<vmem>>)
      tpu.yield
    }) : () -> ()
    %eq3A = arith.constant 0 : i32
    %eq3A_3 = arith.cmpi eq, %arg1, %eq3A : i32
    %convert_element_type3A = arith.extui %eq3A_3 : i1 to i32
    %cond3A = arith.constant 0 : i32
    %cond3A_4 = arith.cmpi ne, %convert_element_type3A, %cond3A : i32
    scf.if %cond3A_4 {
      "tpu.region"() ({
        %run_scoped3A = tpu.sem_alloc : memref<!tpu.dma_semaphore, #tpu.memory_space<semaphore_mem>>
        tpu.enqueue_dma source(%arg4 : memref<1024xf32, #tpu.memory_space<hbm>>) target(%arg8 : memref<1024xf32, #tpu.memory_space<vmem_shared>>) target_semaphore(%run_scoped3A : memref<!tpu.dma_semaphore, #tpu.memory_space<semaphore_mem>>)
        tpu.wait_dma2 semaphore(%run_scoped3A : memref<!tpu.dma_semaphore, #tpu.memory_space<semaphore_mem>>) src(%arg4 : memref<1024xf32, #tpu.memory_space<hbm>>) dst(%arg8 : memref<1024xf32, #tpu.memory_space<vmem_shared>>)
        tpu.yield
      }) : () -> ()
    } else {
    }
    %barrier3A = arith.constant 0 : index
    tpu.barrier barrier_id(%barrier3A)
    "tpu.region"() ({
      %run_scoped3A = tpu.sem_alloc : memref<!tpu.dma_semaphore, #tpu.memory_space<semaphore_mem>>
      %dma_start3A = arith.constant 0 : i32
      %dma_start3A_11 = tpu.memref_slice %arg8[%dma_start3A] : memref<1024xf32, #tpu.memory_space<vmem_shared>> -> memref<1024xf32, #tpu.memory_space<vmem_shared>>
      tpu.enqueue_indirect_dma source(%arg7 : memref<1024xf32, #tpu.memory_space<vmem>>) target(%dma_start3A_11 : memref<1024xf32, #tpu.memory_space<vmem_shared>>) offsets(%arg6 : memref<1024xi32, #tpu.memory_space<vmem>>) semaphore(%run_scoped3A : memref<!tpu.dma_semaphore, #tpu.memory_space<semaphore_mem>>) {add = true}
      %dma_wait3A = arith.constant 0 : i32
      %dma_wait3A_12 = tpu.memref_slice %arg8[%dma_wait3A] : memref<1024xf32, #tpu.memory_space<vmem_shared>> -> memref<1024xf32, #tpu.memory_space<vmem_shared>>
      tpu.wait_indirect_dma semaphore(%run_scoped3A : memref<!tpu.dma_semaphore, #tpu.memory_space<semaphore_mem>>) src(%arg7 : memref<1024xf32, #tpu.memory_space<vmem>>) dst(%dma_wait3A_12 : memref<1024xf32, #tpu.memory_space<vmem_shared>>)
      tpu.yield
    }) : () -> ()
    %barrier3A_5 = arith.constant 0 : index
    tpu.barrier barrier_id(%barrier3A_5)
    %eq3A_6 = arith.constant 0 : i32
    %eq3A_7 = arith.cmpi eq, %arg1, %eq3A_6 : i32
    %convert_element_type3A_8 = arith.extui %eq3A_7 : i1 to i32
    %cond3A_9 = arith.constant 0 : i32
    %cond3A_10 = arith.cmpi ne, %convert_element_type3A_8, %cond3A_9 : i32
    scf.if %cond3A_10 {
      "tpu.region"() ({
        %run_scoped3A = tpu.sem_alloc : memref<!tpu.dma_semaphore, #tpu.memory_space<semaphore_mem>>
        %dma_start3A = arith.constant 0 : i32
        %dma_start3A_11 = tpu.memref_slice %arg5[%arg0, %dma_start3A] : memref<2x1024xf32, #tpu.memory_space<hbm>> -> memref<1x1024xf32, #tpu.memory_space<hbm>>
        %dma_start3A_12 = tpu.memref_squeeze %dma_start3A_11 : memref<1x1024xf32, #tpu.memory_space<hbm>> -> memref<1024xf32, #tpu.memory_space<hbm>>
        tpu.enqueue_dma source(%arg8 : memref<1024xf32, #tpu.memory_space<vmem_shared>>) target(%dma_start3A_12 : memref<1024xf32, #tpu.memory_space<hbm>>) target_semaphore(%run_scoped3A : memref<!tpu.dma_semaphore, #tpu.memory_space<semaphore_mem>>)
        %dma_wait3A = arith.constant 0 : i32
        %dma_wait3A_13 = tpu.memref_slice %arg5[%arg0, %dma_wait3A] : memref<2x1024xf32, #tpu.memory_space<hbm>> -> memref<1x1024xf32, #tpu.memory_space<hbm>>
        %dma_wait3A_14 = tpu.memref_squeeze %dma_wait3A_13 : memref<1x1024xf32, #tpu.memory_space<hbm>> -> memref<1024xf32, #tpu.memory_space<hbm>>
        tpu.wait_dma2 semaphore(%run_scoped3A : memref<!tpu.dma_semaphore, #tpu.memory_space<semaphore_mem>>) src(%arg8 : memref<1024xf32, #tpu.memory_space<vmem_shared>>) dst(%dma_wait3A_14 : memref<1024xf32, #tpu.memory_space<hbm>>)
        tpu.yield
      }) : () -> ()
    } else {
    }
    return
  }
}

module attributes {stable_mosaic.version = 14 : i64} {
  func.func @_vq_body(%arg0: i32, %arg1: memref<1x64x1024xf32, #tpu.memory_space<vmem>>, %arg2: memref<1024x64xf32, #tpu.memory_space<vmem>>, %arg3: memref<1x64x1024xf32, #tpu.memory_space<vmem>>, %arg4: memref<1x1x1024xi32, #tpu.memory_space<vmem>>, %arg5: memref<1x1xf32, #tpu.memory_space<smem>>, %arg6: memref<64x1024xf32, #tpu.memory_space<vmem>>, %arg7: memref<1024x64xf32, #tpu.memory_space<vmem>>, %arg8: memref<1x1xf32, #tpu.memory_space<smem>>) attributes {dimension_semantics = [#tpu.dimension_semantics<arbitrary>], iteration_bounds = array<i64: 32>, scalar_prefetch = 0 : i64, scratch_operands = 3 : i64, tpu.core_type = #tpu.core_type<tc>, window_params = [{transform_indices = @transform_0, window_bounds = array<i64: 1, 64, 1024>}, {pipeline_mode = #tpu.pipeline_mode<synchronous>, transform_indices = @transform_1, window_bounds = array<i64: 1024, 64>}, {transform_indices = @transform_2, window_bounds = array<i64: 1, 64, 1024>}, {transform_indices = @transform_3, window_bounds = array<i64: 1, 1, 1024>}, {transform_indices = @transform_4, window_bounds = array<i64: 1, 1>}]} {
    %eq3A = arith.constant 0 : i32
    %eq3A_0 = arith.cmpi eq, %arg0, %eq3A : i32
    %convert_element_type3A = arith.extui %eq3A_0 : i1 to i32
    %cond3A = arith.constant 0 : i32
    %cond3A_1 = arith.cmpi ne, %convert_element_type3A, %cond3A : i32
    scf.if %cond3A_1 {
      %get3A_72 = arith.constant 0 : index
      %get3A_73 = arith.constant 0 : index
      %get3A_74 = vector.load %arg2[%get3A_72, %get3A_73] : memref<1024x64xf32, #tpu.memory_space<vmem>>, vector<1024x64xf32>
      %swap3A_75 = arith.constant 0.000000e+00 : f32
      %swap3A_76 = arith.constant 0 : index
      %swap3A_77 = arith.constant 0 : index
      %swap3A_78 = memref.load %arg8[%swap3A_76, %swap3A_77] : memref<1x1xf32, #tpu.memory_space<smem>>
      memref.store %swap3A_75, %arg8[%swap3A_76, %swap3A_77] : memref<1x1xf32, #tpu.memory_space<smem>>
      %transpose3A = tpu.transpose %get3A_74, [1, 0] : vector<1024x64xf32> -> vector<64x1024xf32>
      %swap3A_79 = arith.constant 0 : index
      %swap3A_80 = arith.constant 0 : index
      %swap3A_81 = vector.load %arg6[%swap3A_79, %swap3A_80] : memref<64x1024xf32, #tpu.memory_space<vmem>>, vector<64x1024xf32>
      tpu.vector_store %arg6[%swap3A_79, %swap3A_80], %transpose3A {strides = array<i32>} : memref<64x1024xf32, #tpu.memory_space<vmem>>, vector<64x1024xf32>,
      %mul3A_82 = arith.constant -2.000000e+00 : f32
      %mul3A_83 = vector.broadcast %mul3A_82 : f32 to vector<1024x64xf32>
      %mul3A_84 = arith.mulf %get3A_74, %mul3A_83 : vector<1024x64xf32>
      %swap3A_85 = arith.constant 0 : index
      %swap3A_86 = arith.constant 0 : index
      %swap3A_87 = vector.load %arg7[%swap3A_85, %swap3A_86] : memref<1024x64xf32, #tpu.memory_space<vmem>>, vector<1024x64xf32>
      tpu.vector_store %arg7[%swap3A_85, %swap3A_86], %mul3A_84 {strides = array<i32>} : memref<1024x64xf32, #tpu.memory_space<vmem>>, vector<1024x64xf32>,
    } else {
    }
    %iota3A = tpu.iota {dimensions = array<i32: 0>} : vector<1024x1024xi32>
    %get3A = arith.constant 0 : index
    %get3A_2 = arith.constant 0 : index
    %get3A_3 = arith.constant 0 : index
    %get3A_4 = vector.load %arg1[%get3A, %get3A_2, %get3A_3] : memref<1x64x1024xf32, #tpu.memory_space<vmem>>, vector<1x64x1024xf32>
    %get3A_5 = vector.shape_cast %get3A_4 : vector<1x64x1024xf32> to vector<64x1024xf32>
    %get3A_6 = arith.constant 0 : index
    %get3A_7 = arith.constant 0 : index
    %get3A_8 = vector.load %arg2[%get3A_6, %get3A_7] : memref<1024x64xf32, #tpu.memory_space<vmem>>, vector<1024x64xf32>
    %get3A_9 = arith.constant 0 : index
    %get3A_10 = arith.constant 0 : index
    %get3A_11 = vector.load %arg2[%get3A_9, %get3A_10] : memref<1024x64xf32, #tpu.memory_space<vmem>>, vector<1024x64xf32>
    %mul3A = arith.mulf %get3A_8, %get3A_11 : vector<1024x64xf32>
    %reduce_sum3A = arith.constant dense<0.000000e+00> : vector<1024xf32>
    %reduce_sum3A_12 = vector.multi_reduction <add>, %mul3A, %reduce_sum3A [1] : vector<1024x64xf32> to vector<1024xf32>
    %broadcast_in_dim3A = vector.shape_cast %reduce_sum3A_12 : vector<1024xf32> to vector<1024x1xf32>
    %mul3A_13 = arith.mulf %get3A_5, %get3A_5 : vector<64x1024xf32>
    %reduce_sum3A_14 = arith.constant dense<0.000000e+00> : vector<1024xf32>
    %reduce_sum3A_15 = vector.multi_reduction <add>, %mul3A_13, %reduce_sum3A_14 [0] : vector<64x1024xf32> to vector<1024xf32>
    %broadcast_in_dim3A_16 = vector.shape_cast %reduce_sum3A_15 : vector<1024xf32> to vector<1x1024xf32>
    %get3A_17 = arith.constant 0 : index
    %get3A_18 = arith.constant 0 : index
    %get3A_19 = vector.load %arg7[%get3A_17, %get3A_18] : memref<1024x64xf32, #tpu.memory_space<vmem>>, vector<1024x64xf32>
    %dot_general3A = arith.constant dense<0.000000e+00> : vector<1024x1024xf32>
    %dot_general3A_20 = tpu.matmul %get3A_19, %get3A_5, %dot_general3A {dimension_numbers = #tpu.dot_dimension_numbers<[1], [0], [0], [1], [0, 0, 1, 1], [], []>, transpose_lhs_hint = false} : vector<1024x64xf32>, vector<64x1024xf32>, vector<1024x1024xf32> -> vector<1024x1024xf32>
    %add3A = vector.broadcast %broadcast_in_dim3A_16 : vector<1x1024xf32> to vector<1024x1024xf32>
    %add3A_21 = vector.broadcast %broadcast_in_dim3A : vector<1024x1xf32> to vector<1024x1024xf32>
    %add3A_22 = arith.addf %add3A, %add3A_21 : vector<1024x1024xf32>
    %add3A_23 = arith.addf %add3A_22, %dot_general3A_20 : vector<1024x1024xf32>
    %reduce_min3A = arith.constant dense<0x7F800000> : vector<1024xf32>
    %reduce_min3A_24 = vector.multi_reduction <minimumf>, %add3A_23, %reduce_min3A [0] : vector<1024x1024xf32> to vector<1024xf32>
    %broadcast_in_dim3A_25 = vector.shape_cast %reduce_min3A_24 : vector<1024xf32> to vector<1x1024xf32>
    %eq3A_26 = vector.broadcast %broadcast_in_dim3A_25 : vector<1x1024xf32> to vector<1024x1024xf32>
    %eq3A_27 = arith.cmpf oeq, %add3A_23, %eq3A_26 : vector<1024x1024xf32>
    %jit3A = arith.constant 1024 : i32
    %broadcast_in_dim3A_28 = vector.broadcast %jit3A : i32 to vector<1024x1024xi32>
    %select_n3A = arith.select %eq3A_27, %iota3A, %broadcast_in_dim3A_28 : vector<1024x1024xi1>, vector<1024x1024xi32>
    %reduce_min3A_29 = arith.constant dense<2147483647> : vector<1024xi32>
    %reduce_min3A_30 = vector.multi_reduction <minsi>, %select_n3A, %reduce_min3A_29 [0] : vector<1024x1024xi32> to vector<1024xi32>
    %broadcast_in_dim3A_31 = vector.shape_cast %reduce_min3A_30 : vector<1024xi32> to vector<1x1024xi32>
    %eq3A_32 = vector.broadcast %broadcast_in_dim3A_31 : vector<1x1024xi32> to vector<1024x1024xi32>
    %eq3A_33 = arith.cmpi eq, %iota3A, %eq3A_32 : vector<1024x1024xi32>
    %jit3A_34 = arith.constant 1.000000e+00 : f32
    %jit3A_35 = arith.constant 0.000000e+00 : f32
    %broadcast_in_dim3A_36 = vector.broadcast %jit3A_34 : f32 to vector<1024x1024xf32>
    %broadcast_in_dim3A_37 = vector.broadcast %jit3A_35 : f32 to vector<1024x1024xf32>
    %select_n3A_38 = arith.select %eq3A_33, %broadcast_in_dim3A_36, %broadcast_in_dim3A_37 : vector<1024x1024xi1>, vector<1024x1024xf32>
    %get3A_39 = arith.constant 0 : index
    %get3A_40 = arith.constant 0 : index
    %get3A_41 = vector.load %arg6[%get3A_39, %get3A_40] : memref<64x1024xf32, #tpu.memory_space<vmem>>, vector<64x1024xf32>
    %dot_general3A_42 = arith.constant dense<0.000000e+00> : vector<64x1024xf32>
    %dot_general3A_43 = tpu.matmul %get3A_41, %select_n3A_38, %dot_general3A_42 {dimension_numbers = #tpu.dot_dimension_numbers<[1], [0], [0], [1], [0, 0, 1, 1], [], []>, transpose_lhs_hint = false} : vector<64x1024xf32>, vector<1024x1024xf32>, vector<64x1024xf32> -> vector<64x1024xf32>
    %get3A_44 = arith.constant 0 : index
    %get3A_45 = arith.constant 0 : index
    %get3A_46 = memref.load %arg8[%get3A_44, %get3A_45] : memref<1x1xf32, #tpu.memory_space<smem>>
    %reduce_sum3A_47 = vector.shape_cast %broadcast_in_dim3A_25 : vector<1x1024xf32> to vector<1x1x1024xf32>
    %reduce_sum3A_48 = arith.constant dense<0.000000e+00> : vector<1xf32>
    %reduce_sum3A_49 = vector.multi_reduction <add>, %reduce_sum3A_47, %reduce_sum3A_48 [1, 2] : vector<1x1x1024xf32> to vector<1xf32>
    %reduce_sum3A_50 = vector.shape_cast %reduce_sum3A_49 : vector<1xf32> to vector<1x1x1xf32>
    %reduce_sum3A_51 = vector.extract %reduce_sum3A_50[0, 0, 0] : f32 from vector<1x1x1xf32>
    %add3A_52 = arith.addf %get3A_46, %reduce_sum3A_51 : f32
    %swap3A = arith.constant 0 : index
    %swap3A_53 = arith.constant 0 : index
    %swap3A_54 = memref.load %arg8[%swap3A, %swap3A_53] : memref<1x1xf32, #tpu.memory_space<smem>>
    memref.store %add3A_52, %arg8[%swap3A, %swap3A_53] : memref<1x1xf32, #tpu.memory_space<smem>>
    %swap3A_55 = arith.constant 0 : index
    %swap3A_56 = arith.constant 0 : index
    %swap3A_57 = arith.constant 0 : index
    %swap3A_58 = vector.load %arg3[%swap3A_55, %swap3A_56, %swap3A_57] : memref<1x64x1024xf32, #tpu.memory_space<vmem>>, vector<1x64x1024xf32>
    %swap3A_59 = vector.shape_cast %swap3A_58 : vector<1x64x1024xf32> to vector<64x1024xf32>
    %swap3A_60 = vector.shape_cast %dot_general3A_43 : vector<64x1024xf32> to vector<1x64x1024xf32>
    tpu.vector_store %arg3[%swap3A_55, %swap3A_56, %swap3A_57], %swap3A_60 {strides = array<i32>} : memref<1x64x1024xf32, #tpu.memory_space<vmem>>, vector<1x64x1024xf32>,
    %squeeze3A = vector.shape_cast %broadcast_in_dim3A_31 : vector<1x1024xi32> to vector<1024xi32>
    %swap3A_61 = arith.constant 0 : index
    %swap3A_62 = arith.constant 0 : index
    %swap3A_63 = arith.constant 0 : index
    %swap3A_64 = vector.load %arg4[%swap3A_61, %swap3A_62, %swap3A_63] : memref<1x1x1024xi32, #tpu.memory_space<vmem>>, vector<1x1x1024xi32>
    %swap3A_65 = vector.shape_cast %swap3A_64 : vector<1x1x1024xi32> to vector<1024xi32>
    %swap3A_66 = vector.shape_cast %squeeze3A : vector<1024xi32> to vector<1x1x1024xi32>
    tpu.vector_store %arg4[%swap3A_61, %swap3A_62, %swap3A_63], %swap3A_66 {strides = array<i32>} : memref<1x1x1024xi32, #tpu.memory_space<vmem>>, vector<1x1x1024xi32>,
    %eq3A_67 = arith.constant 31 : i32
    %eq3A_68 = arith.cmpi eq, %arg0, %eq3A_67 : i32
    %convert_element_type3A_69 = arith.extui %eq3A_68 : i1 to i32
    %cond3A_70 = arith.constant 0 : i32
    %cond3A_71 = arith.cmpi ne, %convert_element_type3A_69, %cond3A_70 : i32
    scf.if %cond3A_71 {
      %get3A_72 = arith.constant 0 : index
      %get3A_73 = arith.constant 0 : index
      %get3A_74 = memref.load %arg8[%get3A_72, %get3A_73] : memref<1x1xf32, #tpu.memory_space<smem>>
      %mul3A_75 = arith.constant 2.500000e-01 : f32
      %mul3A_76 = arith.mulf %mul3A_75, %get3A_74 : f32
      %div3A = arith.constant 0x4A000000 : f32
      %div3A_77 = arith.divf %mul3A_76, %div3A : f32
      %swap3A_78 = arith.constant 0 : index
      %swap3A_79 = arith.constant 0 : index
      %swap3A_80 = memref.load %arg5[%swap3A_78, %swap3A_79] : memref<1x1xf32, #tpu.memory_space<smem>>
      memref.store %div3A_77, %arg5[%swap3A_78, %swap3A_79] : memref<1x1xf32, #tpu.memory_space<smem>>
    } else {
    }
    return
  }
  func.func @transform_0(%arg0: i32) -> (i32, i32, i32) {
    %c0_i32 = arith.constant 0 : i32
    %c0_i32_0 = arith.constant 0 : i32
    %c0_i32_1 = arith.constant 0 : i32
    return %arg0, %c0_i32, %c0_i32_0 : i32, i32, i32
  }
  func.func @transform_1(%arg0: i32) -> (i32, i32) {
    %c0_i32 = arith.constant 0 : i32
    %c0_i32_0 = arith.constant 0 : i32
    %c0_i32_1 = arith.constant 0 : i32
    return %c0_i32, %c0_i32_0 : i32, i32
  }
  func.func @transform_2(%arg0: i32) -> (i32, i32, i32) {
    %c0_i32 = arith.constant 0 : i32
    %c0_i32_0 = arith.constant 0 : i32
    %c0_i32_1 = arith.constant 0 : i32
    return %arg0, %c0_i32, %c0_i32_0 : i32, i32, i32
  }
  func.func @transform_3(%arg0: i32) -> (i32, i32, i32) {
    %c0_i32 = arith.constant 0 : i32
    %c0_i32_0 = arith.constant 0 : i32
    %c0_i32_1 = arith.constant 0 : i32
    return %arg0, %c0_i32, %c0_i32_0 : i32, i32, i32
  }
  func.func @transform_4(%arg0: i32) -> (i32, i32) {
    %c0_i32 = arith.constant 0 : i32
    %c0_i32_0 = arith.constant 0 : i32
    %c0_i32_1 = arith.constant 0 : i32
    return %c0_i32, %c0_i32_0 : i32, i32
  }
}

module attributes {stable_mosaic.version = 14 : i64} {
  func.func @_perp_body(%arg0: memref<2x1024xf32, #tpu.memory_space<vmem>>, %arg1: memref<1x1xf32, #tpu.memory_space<smem>>) attributes {dimension_semantics = [], scalar_prefetch = 0 : i64, scratch_operands = 0 : i64, tpu.core_type = #tpu.core_type<tc>} {
    %get3A = arith.constant 0 : index
    %get3A_0 = arith.constant 0 : index
    %get3A_1 = vector.load %arg0[%get3A, %get3A_0] : memref<2x1024xf32, #tpu.memory_space<vmem>>, vector<1x1024xf32>
    %get3A_2 = vector.shape_cast %get3A_1 : vector<1x1024xf32> to vector<1024xf32>
    %get3A_3 = arith.constant 1 : index
    %get3A_4 = arith.constant 0 : index
    %get3A_5 = vector.load %arg0[%get3A_3, %get3A_4] : memref<2x1024xf32, #tpu.memory_space<vmem>>, vector<1x1024xf32>
    %get3A_6 = vector.shape_cast %get3A_5 : vector<1x1024xf32> to vector<1024xf32>
    %add3A = arith.addf %get3A_2, %get3A_6 : vector<1024xf32>
    %mul3A = arith.constant 3.05175781E-5 : f32
    %mul3A_7 = vector.broadcast %mul3A : f32 to vector<1024xf32>
    %mul3A_8 = arith.mulf %add3A, %mul3A_7 : vector<1024xf32>
    %add3A_9 = arith.constant 1.000000e-10 : f32
    %add3A_10 = vector.broadcast %add3A_9 : f32 to vector<1024xf32>
    %add3A_11 = arith.addf %mul3A_8, %add3A_10 : vector<1024xf32>
    %log3A = math.log %add3A_11 : vector<1024xf32>
    %mul3A_12 = arith.mulf %mul3A_8, %log3A : vector<1024xf32>
    %reduce_sum3A = vector.shape_cast %mul3A_12 : vector<1024xf32> to vector<1x1024xf32>
    %reduce_sum3A_13 = arith.constant dense<0.000000e+00> : vector<1xf32>
    %reduce_sum3A_14 = vector.multi_reduction <add>, %reduce_sum3A, %reduce_sum3A_13 [1] : vector<1x1024xf32> to vector<1xf32>
    %reduce_sum3A_15 = vector.shape_cast %reduce_sum3A_14 : vector<1xf32> to vector<1x1xf32>
    %reduce_sum3A_16 = vector.extract %reduce_sum3A_15[0, 0] : f32 from vector<1x1xf32>
    %neg3A = arith.constant 0.000000e+00 : f32
    %neg3A_17 = arith.subf %neg3A, %reduce_sum3A_16 : f32
    %exp3A = math.exp %neg3A_17 : f32
    %swap3A = arith.constant 0 : index
    %swap3A_18 = arith.constant 0 : index
    %swap3A_19 = memref.load %arg1[%swap3A, %swap3A_18] : memref<1x1xf32, #tpu.memory_space<smem>>
    memref.store %exp3A, %arg1[%swap3A, %swap3A_18] : memref<1x1xf32, #tpu.memory_space<smem>>
    return
  }
}

</mosaic_0001>

<sc_bundles>
// kernel: kernel.5.cloned.1.call-start
scs
__scs_entry_jumppad:
0x0: {  	(pc) =	sbr.rel $0x88, $3  }
0x1: {  	(tag) =	ssettag $0x0;
	lr =	simm.s32 $0x1  }
0x2: {  	[smem:$0x3F9F] =	sst lr;
	_ =	strace $0xD0000000  }
0x3: {  	_ = 	snop  }
0x4: {  	_ = 	snop  }
0x5: {  	_ = 	snop  }
0x6: {  	_ = 	snop  }
0x7: {  	_ = 	snop  }
__scs_overlays_trampoline_lowered:
0x8: {  	[smem:$0x3FAE] =	sst s0  }
0x9: {  	[smem:$0x3FAF] =	sst s1  }
0xa: {  	[smem:$0x3FB0] =	sst s2  }
0xb: {  	[smem:$0x3FB1] =	sst s3  }
0xc: {  	[smem:$0x3FB2] =	sst s4  }
0xd: {  	[smem:$0x3FB3] =	sst s5  }
0xe: {  	[smem:$0x3FB4] =	sst s6  }
0xf: {  	[smem:$0x3FB5] =	sst s7  }
0x10: {  	[smem:$0x3FB6] =	sst s8  }
0x11: {  	[smem:$0x3FB7] =	sst s9;
	s0 =	simm.s32 @!p0 $0x0  }
0x12: {  	s1 =	sld [smem:$0x3F9D];
	s0 =	simm.s32 @p0 $0x1  }
0x13: {  	[smem:$0x3FB8] =	sst s0;
	s0 =	simm.s32 @!p1 $0x0  }
0x14: {  	s2 =	sld [smem:$0x3F9C];
	s0 =	simm.s32 @p1 $0x1  }
0x15: {  	[smem:$0x3FB9] =	sst s0;
	s0 =	simm.s32 @!p2 $0x0  }
0x16: {  	s3 =	sld [smem:$0x3FDB];
	s0 =	simm.s32 @p2 $0x1  }
0x17: {  	s4 =	simm.s32 $0x1BF5;
	[smem:$0x3FBB] =	sst s0  }
0x18: {  	s0 =	sld [smem:$0x3F9E];
	_ =	swait.ge [sflag:s4], $0x0  }
0x19: {  	s7 =	sld [smem:$0x3F9F]  }
0x1a: {  	s8 =	sadd.s32 $0xFFFFE003, lr  }
0x1b: {  	s9 =	sadd.s32 $0xFFFFFEF7, lr;
	s5 =	simm.s32 $0xFFFFFFFF;
	p2 =	slt.u32 s8, $0xFFFFF086  }
0x1c: {  	p1 =	slt.u32 s9, $0xF7A;
	s5 =	simm.s32 @!p2 $0x0  }
0x1d: {  	s5 =	simm.s32 @p1 $0x1;
	p0 =	seq.s32 s7, s2  }
0x1e: {  	s7 =	smul.u32 @!p0 $0xF7A, s2;
	p2 =	seq.s32 @!p0 s5, $0x0  }
0x1f: {  	s9 =	smul.u32 $0xF7A, s1;
	s8 =	simm.s32 @!p0 $0x1BF5;
	p2 =	por !p2, p0  }
0x20: {  	[sflag:s8] =	ssyncset.s32 @!p0 $0xFFFFF086;
	s6 =	sadd.s32 @!p0 s3, s7;
	s7 =	simm.s32 @!p0 $0x108  }
0x21: {  	s3 =	sadd.s32 s3, s9;
	s6 =	sadd.s32 @!p0 $0x88, s6;
	s7 =	simm.s32 @p2 $0x1082  }
0x22: {  	[simem:s7], [sflag:s8] =	dma.local @!p0 [hbm:s6], $0xF7A  }
0x23: {  	s9 =	sor.u32 $0xD0000000, s2;
	s6 =	simm.s32 $0x108;
	_ =	swait.ge @!p0 [sflag:s8], $0x0  }
0x24: {  	s3 =	sadd.s32 $0x88, s3;
	s6 =	simm.s32 @!p1 $0x1082;
	[sflag:s4] =	ssyncset.s32 $0xFFFFF086  }
0x25: {  	[simem:s6], [sflag:s4] =	dma.local [hbm:s3], $0xF7A  }
0x26: {  	[smem:$0x3F9F] =	sst s1;
	(tag) =	ssettag s2;
	_ =	strace s9  }
0x27: {  	s1 =	sld [smem:$0x3FAF]  }
0x28: {  	s2 =	sld [smem:$0x3FB0]  }
0x29: {  	s4 =	sld [smem:$0x3FB2]  }
0x2a: {  	p0 =	seq.s32 s5, $0x0;
	s5 =	sld [smem:$0x3FB3]  }
0x2b: {  	s6 =	sld [smem:$0x3FB4]  }
0x2c: {  	s7 =	sld [smem:$0x3FB5]  }
0x2d: {  	s3 =	simm.s32 $0x108;
	s8 =	sld [smem:$0x3FB6]  }
0x2e: {  	s3 =	simm.s32 @!p0 $0x1082;
	s9 =	sld [smem:$0x3FB7]  }
0x2f: {  	lr =	sadd.s32 s0, s3;
	s0 =	sld [smem:$0x3FAE]  }
0x30: {  	s3 =	sld [smem:$0x3FB1]  }
0x31: {  	[smem:$0x3FBA] =	sst s10  }
0x32: {  	s10 =	sld [smem:$0x3FB8];
	_ =	sdelay $0x3  }
0x33: {  	p0 =	seq.s32 s10, $0x1;
	s10 =	sld [smem:$0x3FBA];
	_ =	sdelay $0x3  }
0x34: {  	[smem:$0x3FBA] =	sst s10  }
0x35: {  	s10 =	sld [smem:$0x3FB9];
	_ =	sdelay $0x3  }
0x36: {  	p1 =	seq.s32 s10, $0x1;
	s10 =	sld [smem:$0x3FBA];
	_ =	sdelay $0x3  }
0x37: {  	[smem:$0x3FBA] =	sst s10  }
0x38: {  	s10 =	sld [smem:$0x3FBB]  }
0x39: {  	_ = 	snop;
	(pc) =	sbr.ind lr, $3  }
0x3a: {  	_ = 	snop  }
0x3b: {  	_ = 	snop  }
0x3c: {  	p2 =	seq.s32 s10, $0x1;
	s10 =	sld [smem:$0x3FBA]  }
0x3d: {  	_ =	shalt  }
0x3e: {  	_ =	shalt  }
0x3f: {  	_ =	shalt  }
0x40: {  	_ =	shalt  }
0x41: {  	_ =	shalt  }
0x42: {  	_ =	shalt  }
0x43: {  	_ =	shalt  }
0x44: {  	_ =	shalt  }
0x45: {  	_ =	shalt  }
0x46: {  	_ =	shalt  }
0x47: {  	_ =	shalt  }
0x48: {  	_ =	shalt  }
0x49: {  	_ =	shalt  }
0x4a: {  	_ =	shalt  }
0x4b: {  	_ =	shalt  }
0x4c: {  	_ =	shalt  }
0x4d: {  	_ =	shalt  }
0x4e: {  	_ =	shalt  }
0x4f: {  	_ =	shalt  }
0x50: {  	_ =	shalt  }
0x51: {  	_ =	shalt  }
0x52: {  	_ =	shalt  }
0x53: {  	_ =	shalt  }
0x54: {  	_ =	shalt  }
0x55: {  	_ =	shalt  }
0x56: {  	_ =	shalt  }
0x57: {  	_ =	shalt  }
0x58: {  	_ =	shalt  }
0x59: {  	_ =	shalt  }
0x5a: {  	_ =	shalt  }
0x5b: {  	_ =	shalt  }
0x5c: {  	_ =	shalt  }
0x5d: {  	_ =	shalt  }
0x5e: {  	_ =	shalt  }
0x5f: {  	_ =	shalt  }
0x60: {  	_ =	shalt  }
0x61: {  	_ =	shalt  }
0x62: {  	_ =	shalt  }
0x63: {  	_ =	shalt  }
0x64: {  	_ =	shalt  }
0x65: {  	_ =	shalt  }
0x66: {  	_ =	shalt  }
0x67: {  	_ =	shalt  }
0x68: {  	_ =	shalt  }
0x69: {  	_ =	shalt  }
0x6a: {  	_ =	shalt  }
0x6b: {  	_ =	shalt  }
0x6c: {  	_ =	shalt  }
0x6d: {  	_ =	shalt  }
0x6e: {  	_ =	shalt  }
0x6f: {  	_ =	shalt  }
0x70: {  	_ =	shalt  }
0x71: {  	_ =	shalt  }
0x72: {  	_ =	shalt  }
0x73: {  	_ =	shalt  }
0x74: {  	_ =	shalt  }
0x75: {  	_ =	shalt  }
0x76: {  	_ =	shalt  }
0x77: {  	_ =	shalt  }
0x78: {  	_ =	shalt  }
0x79: {  	_ =	shalt  }
0x7a: {  	_ =	shalt  }
0x7b: {  	_ =	shalt  }
0x7c: {  	_ =	shalt  }
0x7d: {  	_ =	shalt  }
0x7e: {  	_ =	shalt  }
0x7f: {  	_ =	shalt  }
0x80: {  	_ =	shalt  }
0x81: {  	_ =	shalt  }
0x82: {  	_ =	shalt  }
0x83: {  	_ =	shalt  }
0x84: {  	_ =	shalt  }
0x85: {  	_ =	shalt  }
0x86: {  	_ =	shalt  }
0x87: {  	_ =	shalt  }
.Lfunc_end0:
.L_simem_size_0:
called_computation_lowered:
.L_overlay_start_0:
0x88: {  	s2 =	sld [smem:$0x3FD9]  }
0x89: {  	s3 =	sld [smem:$0x3FFE];
	_ =	sdelay $0x1  }
0x8a: {  	s1 =	srdreg.scid  }
0x8b: {  	s0 =	sand.u32 $0x1, s1  }
0x8c: {  	s16 =	sshll.u32 s0, $0xA;
	s2 =	sadd.s32 s3, s2  }
0x8d: {  	s2 =	sadd.s32 s2, s16  }
0x8e: {  	[smem:$0x3FC6] =	sst s2  }
0x8f: {  	_ = 	snop  }
0x90: {  	(tm) =	ssettm $0x1  }
0x91: {  	s17 =	sld [smem:$0x3FFB];
	_ =	sdelay $0x3  }
0x92: {  	_ =	strace s17  }
0x93: {  	s2 =	sld [smem:$0x3FFC];
	_ =	sdelay $0x3  }
0x94: {  	_ =	strace s2  }
0x95: {  	s2 =	sld [smem:$0x3FFD];
	_ =	sdelay $0x3  }
0x96: {  	_ =	strace s2  }
0x97: {  	_ =	strace $0x8FFFFFFF  }
0x98: {  	s18 =	sld [smem:$0x3FDB];
	_ =	sdelay $0x1  }
0x99: {  	s19 =	simm.s32 $_scs_section_size  }
0x9a: {  	s4 =	simm.s32 $_size__tile_overlayer_lowered;
	s5 =	simm.s32 $_tile_overlayer_lowered  }
0x9b: {  	s22 =	simm.s32 $0x1BFF;
	s21 =	sshll.u32 s5, $0x1;
	s2 =	sadd.s32 s19, s18  }
0x9c: {  	s6 =	simm.s32 $0x0;
	s20 =	sshll.u32 s4, $0x1;
	s4 =	sadd.s32 s21, s2  }
0x9d: {  	[timem:s6], [sflag:s22] =	dma.local [hbm:s4], s20  }
0x9e: {  	_ =	swait.ge [sflag:s22], s20  }
0x9f: {  	s3 =	ssub.s32 $0x0, s20;
	[sflag:s22] =	ssyncset.done $0x0  }
0xa0: {  	[sflag:s22] =	ssyncadd.s32 s3;
	_ =	sdelay $0x1  }
0xa1: {  	s23 =	simm.s32 $0x1B8B  }
0xa2: {  	_ =	swait.ge [sflag:s23], $0x1  }
0xa3: {  	[sflag:s23] =	ssyncset.done $0x0  }
0xa4: {  	s25 =	simm.s32 $0x1B8E;
	s24 =	sld [smem:$0x3FFE];
	[sflag:s23] =	ssyncadd.s32 $0xFFFFFFFF  }
0xa5: {  	s26 =	simm.s32 $execute0_lowered;
	[smem:$0x3FD2] =	sst s25  }
0xa6: {  	s4 =	sshll.u32 s26, $0x1;
	_ =	strace $0x80000046;
	[dreg:$0x1] =	wrdreg $0xFFFFFFFF  }
0xa7: {  	s28 =	simm.s32 $_size_execute0_lowered;
	s2 =	sadd.s32 s2, s4;
	[dreg:$0x0] =	wrdreg $0x0  }
0xa8: {  	s4 =	sshll.u32 s28, $0x1;
	[dreg:$0x2] =	wrdreg s2  }
0xa9: {  	[dreg:$0x3] =	wrdreg s4  }
0xaa: {  	[dreg:$0x4] =	wrdreg $0xC0  }
0xab: {  	_ =	task [dreg:s6], $0x5FFFF  }
0xac: {  	[dreg:$0x1] =	wrdreg $0xFFFFFFFF  }
0xad: {  	[dreg:$0x0] =	wrdreg $0x60  }
0xae: {  	[dreg:$0x2] =	wrdreg s24  }
0xaf: {  	[dreg:$0x3] =	wrdreg $0x8000  }
0xb0: {  	[dreg:$0x4] =	wrdreg $0x9  }
0xb1: {  	_ =	task.clear_ibuf [dreg:s6], $0x5FFFF;
	_ =	strace $0x90000046  }
0xb2: {  	s29 =	simm.s32 $0x9;
	_ =	strace $0x80000048  }
0xb3: {  	_ =	swait.ge [sflag:s29], $0x1  }
0xb4: {  	[sflag:s29] =	ssyncadd.s32 $0xFFFFFFFF  }
0xb5: {  	_ =	strace $0x90000048  }
0xb6: {  	_ =	sfence  }
0xb7: {  	s30 =	sld [smem:$0x0];
	_ =	sdelay $0x2  }
0xb8: {  	s31 =	sshll.u32 s1, $0xD;
	s1 =	sshrl.u32 s1, $0x2  }
0xb9: {  	s3 =	sand.u32 $0x4000, s31;
	s1 =	sadd.s32 s1, s30  }
0xba: {  	s0 =	sor.u32 s3, s0;
	s1 =	sshll.u32 s1, $0x11  }
0xbb: {  	s0 =	sor.u32 s1, s0  }
0xbc: {  	s0 =	sadd.s32 $0x8F2B, s0  }
0xbd: {  	[sflag:s0] =	ssyncadd.remote.s32 $0x1  }
0xbe: {  	_ =	sfence.sel $0xFFFF  }
0xbf: {  	[dreg:$0x0] =	wrdreg $0xFFFFFFFF;
	(pc) =	sbr.abs _section_cstart, $3  }
0xc0: {  	[dreg:$0x1] =	wrdreg $0xFFFFFFFF  }
0xc1: {  	_ =	task.clear_ibuf [dreg:s6], $0x2FFFF;
	_ =	strace $0x9FFFFFFF  }
0xc2: {  	(tm) =	ssettm $0x7FFFFFFF  }
0xc3: {  	_ =	shalt  }
tec
execute0_lowered:
.L_overlay_start_1:
0x0: {  	(tag) =	ssettag $0x1  }
0x1: {  	s16 =	rddreg [dreg:$0x0];
	s0 =	srdreg.scid  }
0x2: {  	s1 =	rddreg [dreg:$0x1];
	s17 =	sand.u32 $0x1, s0  }
0x3: {  	s7 =	stileid.u32;
	s2 =	simm.s32 $0x0;
	s3 =	sshll.u32 s17, $0x7  }
0x4: {  	s0 =	rddreg [dreg:$0x2];
	s4 =	sshll.u32 s7, $0x8;
	s3 =	sadd.s32 s3, s16  }
0x5: {  	[smem:$0x7FF] =	sst s2;
	s3 =	sadd.s32 s4, s3  }
0x6: {  	_ =	strace $0x80000047;
	s4 =	simm.s32 $0x1;
	s3 =	sadd.s32 $0xA00, s3  }
0x7: {  	[tilespmem:s2], [sflag:$0x1] =	stream.linear.gather [hbm4b:s3+s2], $0x400, $0x38;
	[tilespmem:$0x840] =	vst v63  }
0x8: {  	_ =	swait.ge [sflag:s4], $0x400  }
0x9: {  	[sflag:s4] =	ssyncset.done $0x0  }
0xa: {  	s6 =	simm.s32 $0x400;
	s5 =	sadd.s32 $0x1A00, s16;
	[sflag:s4] =	ssyncadd.s32 $0xFFFFFC00  }
0xb: {  	[tilespmem:s6], [sflag:$0x1] =	stream.linear.gather [hbm4b:s5+s2], $0x400, $0x38;
	[tilespmem:$0x840] =	vst v63  }
0xc: {  	_ =	swait.ge [sflag:s4], $0x400  }
0xd: {  	p0 =	sne.s32 s7, $0x0;
	[sflag:s4] =	ssyncset.done $0x0  }
0xe: {  	s7 =	simm.s32 @p0 $0x1;
	[sflag:s4] =	ssyncadd.s32 $0xFFFFFC00  }
0xf: {  	s8 =	simm.s32 @p0 $0x0;
	s9 =	simm.s32 @p0 $0x400;
	[bflag:$0x0] =	sbarrier.arrive @p0 $0xFFFF  }
0x10: {  	[spmem:s1] =	stream.indirect.scatter.add.f32 @p0 [tilespmem:s9], [sflag:$0x1], $0x1, s8, s9, $0xb8;
	[tilespmem:$0x840] =	vst v63  }
0x11: {  	_ =	swait.ge @p0 [sflag:s7], $0x400  }
0x12: {  	[sflag:s7] =	ssyncset.done @p0 $0x0  }
0x13: {  	s10 =	sadd.s32 $0x1C00, s16;
	s12 =	sshrl.u32 @!p0 s1, $0x3;
	[sflag:s7] =	ssyncadd.s32 @p0 $0xFFFFFC00  }
0x14: {  	s13 =	simm.s32 @!p0 $0x1C01;
	s11 =	simm.s32 @!p0 $0x1;
	[bflag:$0x0] =	sbarrier.arrive @p0 $0xFFFF  }
0x15: {  	[spmem:s12], [sflag:s13] =	dma.local @!p0 [hbm:s10], $0x80  }
0x16: {  	s18 =	ssub.s32 $0x2, s17;
	_ =	swait.ge @!p0 [sflag:s11], $0x80  }
0x17: {  	s14 =	simm.s32 @!p0 $0x0;
	s19 =	sshrl.u32 s18, $0x1;
	[sflag:s11] =	ssyncset.done @!p0 $0x0  }
0x18: {  	s15 =	simm.s32 @!p0 $0x400;
	s18 =	ssub.s32 s18, s19;
	[sflag:s11] =	ssyncadd.s32 @!p0 $0xFFFFFF80  }
0x19: {  	s17 =	sshll.u32 s17, $0x4;
	s31 =	smax.u32 s18, $0x1;
	[bflag:$0x0] =	sbarrier.arrive @!p0 $0xFFFF  }
0x1a: {  	[spmem:s1] =	stream.indirect.scatter.add.f32 @!p0 [tilespmem:s15], [sflag:$0x1], $0x1, s14, s15, $0xb8;
	[tilespmem:$0x840] =	vst v63  }
0x1b: {  	s16 =	sadd.s32 s17, s16;
	s17 =	sadd.s32 $0xFFFFFFFF, s31;
	_ =	swait.ge @!p0 [sflag:s11], $0x400  }
0x1c: {  	p1 =	sne.s32 s17, $0x0;
	[sflag:s11] =	ssyncset.done @!p0 $0x0  }
.Ltmp0:
0x1d: {  	s16 =	sadd.s32 $0x1E00, s16;
	[sflag:s11] =	ssyncadd.s32 @!p0 $0xFFFFFC00;
	(pc) =	sbr.rel @!p1 .LBB2_2-.Ltmp0, $4  }
0x1e: {  	s19 =	simm.s32 @!p0 $0x10;
	s18 =	simm.s32 @!p0 $0x20;
	[bflag:$0x0] =	sbarrier.arrive @!p0 $0xFFFF  }
0x1f: {  	[hbm:s16@s18], [sflag:s13] =	dma.strided @!p0 [spmem:s12@s19], $0x80, s11, $0x10   }
0x20: {  	_ =	swait.ge @!p0 [sflag:s11], $0x80  }
0x21: {  	[sflag:s11] =	ssyncset.done @!p0 $0x0  }
.LBB2_1:
0x22: {  	s17 =	sadd.s32 $0xFFFFFFFF, s17;
	[sflag:s11] =	ssyncadd.s32 @!p0 $0xFFFFFF80  }
0x23: {  	[tilespmem:s2], [sflag:$0x1] =	stream.linear.gather [hbm4b:s3+s2], $0x400, $0x38;
	[tilespmem:$0x840] =	vst v63  }
0x24: {  	p1 =	sne.s32 s17, $0x0;
	_ =	swait.ge [sflag:s4], $0x400  }
0x25: {  	[sflag:s4] =	ssyncset.done $0x0  }
0x26: {  	[sflag:s4] =	ssyncadd.s32 $0xFFFFFC00  }
0x27: {  	[tilespmem:s6], [sflag:$0x1] =	stream.linear.gather [hbm4b:s5+s2], $0x400, $0x38;
	[tilespmem:$0x840] =	vst v63  }
0x28: {  	_ =	swait.ge [sflag:s4], $0x400  }
0x29: {  	[sflag:s4] =	ssyncset.done $0x0  }
0x2a: {  	[sflag:s4] =	ssyncadd.s32 $0xFFFFFC00  }
0x2b: {  	[bflag:$0x0] =	sbarrier.arrive @p0 $0xFFFF  }
0x2c: {  	[spmem:s1] =	stream.indirect.scatter.add.f32 @p0 [tilespmem:s9], [sflag:$0x1], $0x1, s8, s9, $0xb8;
	[tilespmem:$0x840] =	vst v63  }
0x2d: {  	_ =	swait.ge @p0 [sflag:s7], $0x400  }
0x2e: {  	[sflag:s7] =	ssyncset.done @p0 $0x0  }
0x2f: {  	[sflag:s7] =	ssyncadd.s32 @p0 $0xFFFFFC00  }
0x30: {  	[bflag:$0x0] =	sbarrier.arrive @p0 $0xFFFF  }
0x31: {  	[spmem:s12], [sflag:s13] =	dma.local @!p0 [hbm:s10], $0x80  }
0x32: {  	_ =	swait.ge @!p0 [sflag:s11], $0x80  }
0x33: {  	[sflag:s11] =	ssyncset.done @!p0 $0x0  }
0x34: {  	[sflag:s11] =	ssyncadd.s32 @!p0 $0xFFFFFF80  }
0x35: {  	[bflag:$0x0] =	sbarrier.arrive @!p0 $0xFFFF  }
0x36: {  	[spmem:s1] =	stream.indirect.scatter.add.f32 @!p0 [tilespmem:s15], [sflag:$0x1], $0x1, s14, s15, $0xb8;
	[tilespmem:$0x840] =	vst v63  }
0x37: {  	_ =	swait.ge @!p0 [sflag:s11], $0x400  }
0x38: {  	[sflag:s11] =	ssyncset.done @!p0 $0x0  }
.Ltmp1:
0x39: {  	[sflag:s11] =	ssyncadd.s32 @!p0 $0xFFFFFC00;
	(pc) =	sbr.rel @p1 .LBB2_1-.Ltmp1, $4  }
0x3a: {  	[bflag:$0x0] =	sbarrier.arrive @!p0 $0xFFFF  }
0x3b: {  	[hbm:s16@s18], [sflag:s13] =	dma.strided @!p0 [spmem:s12@s19], $0x80, s11, $0x10   }
0x3c: {  	_ =	swait.ge @!p0 [sflag:s11], $0x80  }
0x3d: {  	[sflag:s11] =	ssyncset.done @!p0 $0x0  }
.LBB2_2:
0x3e: {  	[sflag:s11] =	ssyncadd.s32 @!p0 $0xFFFFFF80  }
0x3f: {  	_ =	sfence.sel $0x180000  }
0x40: {  	[bflag:$0x0] =	sbarrier.arrive $0xFFFF  }
0x41: {  	_ =	strace $0x90000047  }
0x42: {  	s0 =	sadd.s32 @!p0 $0x100000, s0;
	[bflag:$0x2] =	sbarrier.arrive $0xFFFF  }
0x43: {  	[sflag:s0] =	ssyncadd.tile.s32 @!p0 $0x1;
	_ =	shalt  }
.Lfunc_end2:
_tile_overlayer_lowered:
.L_overlay_start_2:
0x44: {  	(tag) =	ssettag $0x2  }
0x45: {  	s0 =	rddreg [dreg:$0x0];
	s2 =	stileid.u32  }
0x46: {  	s1 =	rddreg [dreg:$0x1];
	p0 =	sne.s32 s2, $0x0  }
0x47: {  	s3 =	rddreg [dreg:$0x2];
	[bflag:$0x3] =	sbarrier.arrive $0xFFFF;
	s2 =	simm.s32 @!p0 $0x1C01  }
0x48: {  	[timem:s3], [sflag:s2] =	dma.local @!p0 [hbm:s0], s1  }
0x49: {  	s0 =	simm.s32 @!p0 $0x1  }
0x4a: {  	_ =	swait.ge @!p0 [sflag:s0], s1  }
0x4b: {  	s1 =	ssub.s32 @!p0 $0x0, s1;
	[sflag:s0] =	ssyncset.done @!p0 $0x0  }
0x4c: {  	[sflag:s0] =	ssyncadd.s32 @!p0 s1  }
0x4d: {  	[bflag:$0x3] =	sbarrier.arrive $0xFFFF  }
0x4e: {  	_ =	shalt  }

</sc_bundles>
